<compile_context>
chip_gen: v7x
topology: tpu7x:2x2x1
jax: 0.10.2.dev20260603
libtpu: 0.0.44.dev20260713+nightly
codegen_flags: <defaults>
</compile_context>

<pallas_src>
import functools

import jax
import jax.numpy as jnp
from jax import lax
from jax.experimental import pallas as pl
from jax.experimental.pallas import tpu as pltpu
from jax.experimental.pallas import tpu_sc as plsc

R = 4
P = 6
H = R * P
HP = H // 2
D = 64
B = 32768

NC = 2
NS = 16
NW = NC * NS
L = 16
BPW = B // NW

TC_BLK = 16384


def _round_bf16_bits(x):
    u = lax.bitcast_convert_type(x, jnp.uint32)
    return (u + jnp.uint32(0x7FFF) + ((u >> 16) & jnp.uint32(1))) >> 16


def _logits_tc_kernel(zt_ref, w_ref, b_ref, out_ref):
    acc = lax.dot_general(
        w_ref[...], zt_ref[...],
        dimension_numbers=(((1,), (0,)), ((), ())),
        preferred_element_type=jnp.float32,
    )
    acc = acc + b_ref[...]
    lo = _round_bf16_bits(acc[0:HP, :])
    hi = _round_bf16_bits(acc[HP:H, :])
    out_ref[...] = lax.bitcast_convert_type(lo | (hi << 16), jnp.int32)


def _compute_logits(zt, w_flat, b_flat):
    return pl.pallas_call(
        _logits_tc_kernel,
        grid=(B // TC_BLK,),
        in_specs=[
            pl.BlockSpec((D, TC_BLK), lambda i: (0, i)),
            pl.BlockSpec((H, D), lambda i: (0, 0)),
            pl.BlockSpec((H, 1), lambda i: (0, 0)),
        ],
        out_specs=pl.BlockSpec((HP, TC_BLK), lambda i: (0, i)),
        out_shape=jax.ShapeDtypeStruct((HP, B), jnp.int32),
    )(zt, w_flat, b_flat)


def _route_sc(plane, pair_idx):
    mesh = plsc.VectorSubcoreMesh(core_axis_name="c", subcore_axis_name="s")

    @functools.partial(
        pl.kernel,
        mesh=mesh,
        out_type=tuple(
            jax.ShapeDtypeStruct((B,), jnp.float32) for _ in range(R)
        ),
        scratch_types=[
            pltpu.VMEM((BPW,), jnp.int32),
            pltpu.VMEM((HP, BPW), jnp.int32),
            pltpu.VMEM((R, BPW), jnp.float32),
            pltpu.SemaphoreType.DMA,
            pltpu.SemaphoreType.DMA,
            pltpu.SemaphoreType.DMA,
        ],
        compiler_params=pltpu.CompilerParams(needs_layout_passes=False),
    )
    def route(plane_hbm, pair_hbm, o0, o1, o2, o3,
              idx_v, plane_v, out_v, sem_p, sem_a, sem_b):
        wid = lax.axis_index("s") * NC + lax.axis_index("c")
        base = wid * BPW
        half = BPW // 2
        c_pair = pltpu.async_copy(pair_hbm.at[pl.ds(base, BPW)], idx_v, sem_p)
        c_a = pltpu.async_copy(
            plane_hbm.at[:, pl.ds(base, half)],
            plane_v.at[:, pl.ds(0, half)], sem_a)
        c_b = pltpu.async_copy(
            plane_hbm.at[:, pl.ds(base + half, half)],
            plane_v.at[:, pl.ds(half, half)], sem_b)

        himask = jnp.full((L,), -65536, jnp.int32)

        def body(g, _):
            off = g * L
            p16 = idx_v[pl.ds(off, L)]
            cols = off + lax.iota(jnp.int32, L)
            v0 = plsc.load_gather(plane_v, [p16, cols])
            v1 = plsc.load_gather(plane_v, [p16 + P, cols])
            out_v[0, pl.ds(off, L)] = plsc.bitcast(v0 << 16, jnp.float32)
            out_v[1, pl.ds(off, L)] = plsc.bitcast(v1 << 16, jnp.float32)
            out_v[2, pl.ds(off, L)] = plsc.bitcast(v0 & himask, jnp.float32)
            out_v[3, pl.ds(off, L)] = plsc.bitcast(v1 & himask, jnp.float32)
            return 0

        c_pair.wait()
        c_a.wait()
        lax.fori_loop(0, half // L, body, 0)
        c_b.wait()
        lax.fori_loop(half // L, BPW // L, body, 0)
        for r, o in enumerate((o0, o1, o2, o3)):
            pltpu.sync_copy(out_v.at[r], o.at[pl.ds(base, BPW)])

    return route(plane, pair_idx)


def kernel(z, pair_idx, W, b):
    w_flat = W.reshape(H, D)
    b_col = b.reshape(H, 1)
    plane = _compute_logits(z.T, w_flat, b_col)
    return _route_sc(plane, pair_idx.astype(jnp.int32))

# --- scband reference (transcript-rebuilt; emitter-appended) ---
"""Pipeline reference for scband-relation-probe-76897094467881 (READ-ONLY COPY).

The authoritative reference and input builder live on the scoring server;
editing this copy changes nothing except your own understanding.
"""

import jax, jax.numpy as jnp
import numpy as np

RELATIONS = ['above', 'left_of', 'touching', 'occluded']
NUM_PAIRS = 6
LATENT_DIM = 64
B = 32768

def setup_inputs(seed: int = 0):
    key = jax.random.key(seed)
    k1, k2, k3, k4 = jax.random.split(key, 4)
    z = jax.random.normal(k1, (B, LATENT_DIM), dtype=jnp.float32)
    pair_idx = jax.random.randint(k2, (B,), 0, NUM_PAIRS)
    # Stacked head params: W[rel, pair, D], b[rel, pair] for the 4*6 Linear(64,1) heads
    W = jax.random.normal(k3, (len(RELATIONS), NUM_PAIRS, LATENT_DIM), dtype=jnp.float32) * (1.0 / np.sqrt(LATENT_DIM))
    b = jax.random.normal(k4, (len(RELATIONS), NUM_PAIRS), dtype=jnp.float32) * 0.01
    return {"z": z, "pair_idx": pair_idx, "W": W, "b": b}

def reference(z, pair_idx, W, b):
    # Faithful to the torch module: each token i is routed by pair_idx[i] to the
    # (rel, pair) head, producing one scalar logit per relation.
    # Vectorized equivalent of the masked per-pair loop: gather the per-token head
    # weights/biases and take a dot product.
    Wg = W[:, pair_idx, :]          # (R, B, D) gather of head weights per token
    bg = b[:, pair_idx]             # (R, B)
    logits = jnp.einsum('bd,rbd->rb', z, Wg) + bg  # (R, B)
    # Return in the same order as the torch dict keys (RELATIONS order)
    return tuple(logits[r] for r in range(len(RELATIONS)))

if __name__ == "__main__":
    import jax
    _d = setup_inputs()
    print(jax.jit(kernel)(*tuple(_d.values())))

</pallas_src>

<mosaic_0001>
#map = affine_map<(d0, d1) -> (0, 0)>
#map1 = affine_map<(d0, d1) -> (0)>
module attributes {stable_mosaic.version = 14 : i64} {
  func.func @route(%arg0: i32, %arg1: i32, %arg2: memref<12x32768xi32, #tpu.memory_space<hbm>>, %arg3: memref<32768xi32, #tpu.memory_space<hbm>>, %arg4: memref<32768xf32, #tpu.memory_space<hbm>>, %arg5: memref<32768xf32, #tpu.memory_space<hbm>>, %arg6: memref<32768xf32, #tpu.memory_space<hbm>>, %arg7: memref<32768xf32, #tpu.memory_space<hbm>>, %arg8: memref<1024xi32, #tpu.memory_space<vmem>>, %arg9: memref<12x1024xi32, #tpu.memory_space<vmem>>, %arg10: memref<4x1024xf32, #tpu.memory_space<vmem>>, %arg11: memref<!tpu.dma_semaphore, #tpu.memory_space<semaphore_mem>>, %arg12: memref<!tpu.dma_semaphore, #tpu.memory_space<semaphore_mem>>, %arg13: memref<!tpu.dma_semaphore, #tpu.memory_space<semaphore_mem>>) attributes {dimension_semantics = [#tpu.dimension_semantics<core_parallel>, #tpu.dimension_semantics<subcore_parallel>], iteration_bounds = array<i64: 2, 16>, scalar_prefetch = 0 : i64, scratch_operands = 6 : i64, tpu.core_type = #tpu.core_type<sc_vector_subcore>, window_params = [{transform_indices = #map}, {transform_indices = #map1}, {transform_indices = #map1}, {transform_indices = #map1}, {transform_indices = #map1}, {transform_indices = #map1}]} {
    %mul3A = arith.constant 2 : i32
    %mul3A_0 = arith.muli %arg1, %mul3A : i32
    %add3A = arith.addi %mul3A_0, %arg0 : i32
    %mul3A_1 = arith.constant 1024 : i32
    %mul3A_2 = arith.muli %add3A, %mul3A_1 : i32
    %dma_start3A = tpu.memref_slice %arg3[%mul3A_2] : memref<32768xi32, #tpu.memory_space<hbm>> -> memref<1024xi32, #tpu.memory_space<hbm>>
    %dma_start3A_3 = tpu.memref_slice %arg3[%mul3A_2] : memref<32768xi32, #tpu.memory_space<hbm>> -> memref<1024xi32, #tpu.memory_space<hbm>>
    tpu.enqueue_dma source(%dma_start3A_3 : memref<1024xi32, #tpu.memory_space<hbm>>) target(%arg8 : memref<1024xi32, #tpu.memory_space<vmem>>) target_semaphore(%arg11 : memref<!tpu.dma_semaphore, #tpu.memory_space<semaphore_mem>>)
    %dma_start3A_4 = arith.constant 0 : i32
    %dma_start3A_5 = arith.constant 0 : i32
    %dma_start3A_6 = tpu.memref_slice %arg9[%dma_start3A_4, %dma_start3A_5] : memref<12x1024xi32, #tpu.memory_space<vmem>> -> memref<12x512xi32, #tpu.memory_space<vmem>>
    %dma_start3A_7 = arith.constant 0 : i32
    %dma_start3A_8 = tpu.memref_slice %arg2[%dma_start3A_7, %mul3A_2] : memref<12x32768xi32, #tpu.memory_space<hbm>> -> memref<12x512xi32, #tpu.memory_space<hbm>>
    %dma_start3A_9 = arith.constant 0 : i32
    %dma_start3A_10 = arith.constant 0 : i32
    %dma_start3A_11 = tpu.memref_slice %arg9[%dma_start3A_9, %dma_start3A_10] : memref<12x1024xi32, #tpu.memory_space<vmem>> -> memref<12x512xi32, #tpu.memory_space<vmem>>
    %dma_start3A_12 = arith.constant 0 : i32
    %dma_start3A_13 = tpu.memref_slice %arg2[%dma_start3A_12, %mul3A_2] : memref<12x32768xi32, #tpu.memory_space<hbm>> -> memref<12x512xi32, #tpu.memory_space<hbm>>
    tpu.enqueue_dma source(%dma_start3A_13 : memref<12x512xi32, #tpu.memory_space<hbm>>) target(%dma_start3A_11 : memref<12x512xi32, #tpu.memory_space<vmem>>) target_semaphore(%arg12 : memref<!tpu.dma_semaphore, #tpu.memory_space<semaphore_mem>>)
    %add3A_14 = arith.constant 512 : i32
    %add3A_15 = arith.addi %mul3A_2, %add3A_14 : i32
    %dma_start3A_16 = arith.constant 0 : i32
    %dma_start3A_17 = arith.constant 512 : i32
    %dma_start3A_18 = tpu.memref_slice %arg9[%dma_start3A_16, %dma_start3A_17] : memref<12x1024xi32, #tpu.memory_space<vmem>> -> memref<12x512xi32, #tpu.memory_space<vmem>>
    %dma_start3A_19 = arith.constant 0 : i32
    %dma_start3A_20 = tpu.memref_slice %arg2[%dma_start3A_19, %add3A_15] : memref<12x32768xi32, #tpu.memory_space<hbm>> -> memref<12x512xi32, #tpu.memory_space<hbm>>
    %dma_start3A_21 = arith.constant 0 : i32
    %dma_start3A_22 = arith.constant 512 : i32
    %dma_start3A_23 = tpu.memref_slice %arg9[%dma_start3A_21, %dma_start3A_22] : memref<12x1024xi32, #tpu.memory_space<vmem>> -> memref<12x512xi32, #tpu.memory_space<vmem>>
    %dma_start3A_24 = arith.constant 0 : i32
    %dma_start3A_25 = tpu.memref_slice %arg2[%dma_start3A_24, %add3A_15] : memref<12x32768xi32, #tpu.memory_space<hbm>> -> memref<12x512xi32, #tpu.memory_space<hbm>>
    tpu.enqueue_dma source(%dma_start3A_25 : memref<12x512xi32, #tpu.memory_space<hbm>>) target(%dma_start3A_23 : memref<12x512xi32, #tpu.memory_space<vmem>>) target_semaphore(%arg13 : memref<!tpu.dma_semaphore, #tpu.memory_space<semaphore_mem>>)
    %broadcast_in_dim3A = arith.constant -65536 : i32
    %broadcast_in_dim3A_26 = vector.broadcast %broadcast_in_dim3A : i32 to vector<16xi32>
    %dma_wait3A = tpu.memref_slice %arg3[%mul3A_2] : memref<32768xi32, #tpu.memory_space<hbm>> -> memref<1024xi32, #tpu.memory_space<hbm>>
    %dma_wait3A_27 = tpu.memref_slice %arg3[%mul3A_2] : memref<32768xi32, #tpu.memory_space<hbm>> -> memref<1024xi32, #tpu.memory_space<hbm>>
    tpu.wait_dma2 semaphore(%arg11 : memref<!tpu.dma_semaphore, #tpu.memory_space<semaphore_mem>>) src(%dma_wait3A_27 : memref<1024xi32, #tpu.memory_space<hbm>>) dst(%arg8 : memref<1024xi32, #tpu.memory_space<vmem>>)
    %dma_wait3A_28 = arith.constant 0 : i32
    %dma_wait3A_29 = arith.constant 0 : i32
    %dma_wait3A_30 = tpu.memref_slice %arg9[%dma_wait3A_28, %dma_wait3A_29] : memref<12x1024xi32, #tpu.memory_space<vmem>> -> memref<12x512xi32, #tpu.memory_space<vmem>>
    %dma_wait3A_31 = arith.constant 0 : i32
    %dma_wait3A_32 = tpu.memref_slice %arg2[%dma_wait3A_31, %mul3A_2] : memref<12x32768xi32, #tpu.memory_space<hbm>> -> memref<12x512xi32, #tpu.memory_space<hbm>>
    %dma_wait3A_33 = arith.constant 0 : i32
    %dma_wait3A_34 = arith.constant 0 : i32
    %dma_wait3A_35 = tpu.memref_slice %arg9[%dma_wait3A_33, %dma_wait3A_34] : memref<12x1024xi32, #tpu.memory_space<vmem>> -> memref<12x512xi32, #tpu.memory_space<vmem>>
    %dma_wait3A_36 = arith.constant 0 : i32
    %dma_wait3A_37 = tpu.memref_slice %arg2[%dma_wait3A_36, %mul3A_2] : memref<12x32768xi32, #tpu.memory_space<hbm>> -> memref<12x512xi32, #tpu.memory_space<hbm>>
    tpu.wait_dma2 semaphore(%arg12 : memref<!tpu.dma_semaphore, #tpu.memory_space<semaphore_mem>>) src(%dma_wait3A_37 : memref<12x512xi32, #tpu.memory_space<hbm>>) dst(%dma_wait3A_35 : memref<12x512xi32, #tpu.memory_space<vmem>>)
    %scan3A = arith.constant 0 : i32
    %scan3A_38 = arith.constant 0 : i32
    %scan3A_39 = arith.constant 32 : i32
    %scan3A_40 = arith.addi %scan3A_38, %scan3A_39 : i32
    %scan3A_41 = arith.constant 1 : i32
    %scan3A_42 = scf.for %scan3A_64 = %scan3A_38 to %scan3A_40 step %scan3A_41 iter_args(%scan3A_65 = %scan3A) -> (i32)  : i32 {
      %mul3A_66 = arith.constant 16 : i32
      %mul3A_67 = arith.muli %scan3A_64, %mul3A_66 : i32
      %get3A = arith.index_cast %mul3A_67 : i32 to index
      %get3A_68 = tpu.vector_load %arg8[%get3A] {strides = array<i32>} : memref<1024xi32, #tpu.memory_space<vmem>>, vector<16xi32>,
      %iota3A = tpu.iota {dimensions = array<i32: 0>} : vector<16xi32>
      %add3A_69 = vector.broadcast %mul3A_67 : i32 to vector<16xi32>
      %add3A_70 = arith.addi %add3A_69, %iota3A : vector<16xi32>
      %gather3A = tpu.vector_load_idx %arg9[%get3A_68, %add3A_70] : memref<12x1024xi32, #tpu.memory_space<vmem>>[vector<16xi32>, vector<16xi32>], vector<16xi32>,
      %add3A_71 = arith.constant 6 : i32
      %add3A_72 = vector.broadcast %add3A_71 : i32 to vector<16xi32>
      %add3A_73 = arith.addi %get3A_68, %add3A_72 : vector<16xi32>
      %gather3A_74 = tpu.vector_load_idx %arg9[%add3A_73, %add3A_70] : memref<12x1024xi32, #tpu.memory_space<vmem>>[vector<16xi32>, vector<16xi32>], vector<16xi32>,
      %shift_left3A = arith.constant 16 : i32
      %shift_left3A_75 = vector.broadcast %shift_left3A : i32 to vector<16xi32>
      %shift_left3A_76 = arith.shli %gather3A, %shift_left3A_75 : vector<16xi32>
      %bitcast3A = vector.bitcast %shift_left3A_76 : vector<16xi32> to vector<16xf32>
      %swap3A = arith.constant 0 : i32
      %swap3A_77 = arith.index_cast %swap3A : i32 to index
      %swap3A_78 = arith.index_cast %mul3A_67 : i32 to index
      %swap3A_79 = tpu.vector_load %arg10[%swap3A_77, %swap3A_78] {strides = array<i32>} : memref<4x1024xf32, #tpu.memory_space<vmem>>, vector<16xf32>,
      tpu.vector_store %arg10[%swap3A_77, %swap3A_78], %bitcast3A {strides = array<i32>} : memref<4x1024xf32, #tpu.memory_space<vmem>>, vector<16xf32>,
      %shift_left3A_80 = arith.constant 16 : i32
      %shift_left3A_81 = vector.broadcast %shift_left3A_80 : i32 to vector<16xi32>
      %shift_left3A_82 = arith.shli %gather3A_74, %shift_left3A_81 : vector<16xi32>
      %bitcast3A_83 = vector.bitcast %shift_left3A_82 : vector<16xi32> to vector<16xf32>
      %swap3A_84 = arith.constant 1 : i32
      %swap3A_85 = arith.index_cast %swap3A_84 : i32 to index
      %swap3A_86 = arith.index_cast %mul3A_67 : i32 to index
      %swap3A_87 = tpu.vector_load %arg10[%swap3A_85, %swap3A_86] {strides = array<i32>} : memref<4x1024xf32, #tpu.memory_space<vmem>>, vector<16xf32>,
      tpu.vector_store %arg10[%swap3A_85, %swap3A_86], %bitcast3A_83 {strides = array<i32>} : memref<4x1024xf32, #tpu.memory_space<vmem>>, vector<16xf32>,
      %and3A = arith.andi %gather3A, %broadcast_in_dim3A_26 : vector<16xi32>
      %bitcast3A_88 = vector.bitcast %and3A : vector<16xi32> to vector<16xf32>
      %swap3A_89 = arith.constant 2 : i32
      %swap3A_90 = arith.index_cast %swap3A_89 : i32 to index
      %swap3A_91 = arith.index_cast %mul3A_67 : i32 to index
      %swap3A_92 = tpu.vector_load %arg10[%swap3A_90, %swap3A_91] {strides = array<i32>} : memref<4x1024xf32, #tpu.memory_space<vmem>>, vector<16xf32>,
      tpu.vector_store %arg10[%swap3A_90, %swap3A_91], %bitcast3A_88 {strides = array<i32>} : memref<4x1024xf32, #tpu.memory_space<vmem>>, vector<16xf32>,
      %and3A_93 = arith.andi %gather3A_74, %broadcast_in_dim3A_26 : vector<16xi32>
      %bitcast3A_94 = vector.bitcast %and3A_93 : vector<16xi32> to vector<16xf32>
      %swap3A_95 = arith.constant 3 : i32
      %swap3A_96 = arith.index_cast %swap3A_95 : i32 to index
      %swap3A_97 = arith.index_cast %mul3A_67 : i32 to index
      %swap3A_98 = tpu.vector_load %arg10[%swap3A_96, %swap3A_97] {strides = array<i32>} : memref<4x1024xf32, #tpu.memory_space<vmem>>, vector<16xf32>,
      tpu.vector_store %arg10[%swap3A_96, %swap3A_97], %bitcast3A_94 {strides = array<i32>} : memref<4x1024xf32, #tpu.memory_space<vmem>>, vector<16xf32>,
      %scan3A_99 = arith.constant 0 : i32
      scf.yield %scan3A_99 : i32
    }
    %scan3A_43 = arith.constant 32 : i32
    %dma_wait3A_44 = arith.constant 0 : i32
    %dma_wait3A_45 = arith.constant 512 : i32
    %dma_wait3A_46 = tpu.memref_slice %arg9[%dma_wait3A_44, %dma_wait3A_45] : memref<12x1024xi32, #tpu.memory_space<vmem>> -> memref<12x512xi32, #tpu.memory_space<vmem>>
    %dma_wait3A_47 = arith.constant 0 : i32
    %dma_wait3A_48 = tpu.memref_slice %arg2[%dma_wait3A_47, %add3A_15] : memref<12x32768xi32, #tpu.memory_space<hbm>> -> memref<12x512xi32, #tpu.memory_space<hbm>>
    %dma_wait3A_49 = arith.constant 0 : i32
    %dma_wait3A_50 = arith.constant 512 : i32
    %dma_wait3A_51 = tpu.memref_slice %arg9[%dma_wait3A_49, %dma_wait3A_50] : memref<12x1024xi32, #tpu.memory_space<vmem>> -> memref<12x512xi32, #tpu.memory_space<vmem>>
    %dma_wait3A_52 = arith.constant 0 : i32
    %dma_wait3A_53 = tpu.memref_slice %arg2[%dma_wait3A_52, %add3A_15] : memref<12x32768xi32, #tpu.memory_space<hbm>> -> memref<12x512xi32, #tpu.memory_space<hbm>>
    tpu.wait_dma2 semaphore(%arg13 : memref<!tpu.dma_semaphore, #tpu.memory_space<semaphore_mem>>) src(%dma_wait3A_53 : memref<12x512xi32, #tpu.memory_space<hbm>>) dst(%dma_wait3A_51 : memref<12x512xi32, #tpu.memory_space<vmem>>)
    %scan3A_54 = arith.constant 0 : i32
    %scan3A_55 = arith.constant 32 : i32
    %scan3A_56 = arith.constant 32 : i32
    %scan3A_57 = arith.addi %scan3A_55, %scan3A_56 : i32
    %scan3A_58 = arith.constant 1 : i32
    %scan3A_59 = scf.for %scan3A_64 = %scan3A_55 to %scan3A_57 step %scan3A_58 iter_args(%scan3A_65 = %scan3A_54) -> (i32)  : i32 {
      %mul3A_66 = arith.constant 16 : i32
      %mul3A_67 = arith.muli %scan3A_64, %mul3A_66 : i32
      %get3A = arith.index_cast %mul3A_67 : i32 to index
      %get3A_68 = tpu.vector_load %arg8[%get3A] {strides = array<i32>} : memref<1024xi32, #tpu.memory_space<vmem>>, vector<16xi32>,
      %iota3A = tpu.iota {dimensions = array<i32: 0>} : vector<16xi32>
      %add3A_69 = vector.broadcast %mul3A_67 : i32 to vector<16xi32>
      %add3A_70 = arith.addi %add3A_69, %iota3A : vector<16xi32>
      %gather3A = tpu.vector_load_idx %arg9[%get3A_68, %add3A_70] : memref<12x1024xi32, #tpu.memory_space<vmem>>[vector<16xi32>, vector<16xi32>], vector<16xi32>,
      %add3A_71 = arith.constant 6 : i32
      %add3A_72 = vector.broadcast %add3A_71 : i32 to vector<16xi32>
      %add3A_73 = arith.addi %get3A_68, %add3A_72 : vector<16xi32>
      %gather3A_74 = tpu.vector_load_idx %arg9[%add3A_73, %add3A_70] : memref<12x1024xi32, #tpu.memory_space<vmem>>[vector<16xi32>, vector<16xi32>], vector<16xi32>,
      %shift_left3A = arith.constant 16 : i32
      %shift_left3A_75 = vector.broadcast %shift_left3A : i32 to vector<16xi32>
      %shift_left3A_76 = arith.shli %gather3A, %shift_left3A_75 : vector<16xi32>
      %bitcast3A = vector.bitcast %shift_left3A_76 : vector<16xi32> to vector<16xf32>
      %swap3A = arith.constant 0 : i32
      %swap3A_77 = arith.index_cast %swap3A : i32 to index
      %swap3A_78 = arith.index_cast %mul3A_67 : i32 to index
      %swap3A_79 = tpu.vector_load %arg10[%swap3A_77, %swap3A_78] {strides = array<i32>} : memref<4x1024xf32, #tpu.memory_space<vmem>>, vector<16xf32>,
      tpu.vector_store %arg10[%swap3A_77, %swap3A_78], %bitcast3A {strides = array<i32>} : memref<4x1024xf32, #tpu.memory_space<vmem>>, vector<16xf32>,
      %shift_left3A_80 = arith.constant 16 : i32
      %shift_left3A_81 = vector.broadcast %shift_left3A_80 : i32 to vector<16xi32>
      %shift_left3A_82 = arith.shli %gather3A_74, %shift_left3A_81 : vector<16xi32>
      %bitcast3A_83 = vector.bitcast %shift_left3A_82 : vector<16xi32> to vector<16xf32>
      %swap3A_84 = arith.constant 1 : i32
      %swap3A_85 = arith.index_cast %swap3A_84 : i32 to index
      %swap3A_86 = arith.index_cast %mul3A_67 : i32 to index
      %swap3A_87 = tpu.vector_load %arg10[%swap3A_85, %swap3A_86] {strides = array<i32>} : memref<4x1024xf32, #tpu.memory_space<vmem>>, vector<16xf32>,
      tpu.vector_store %arg10[%swap3A_85, %swap3A_86], %bitcast3A_83 {strides = array<i32>} : memref<4x1024xf32, #tpu.memory_space<vmem>>, vector<16xf32>,
      %and3A = arith.andi %gather3A, %broadcast_in_dim3A_26 : vector<16xi32>
      %bitcast3A_88 = vector.bitcast %and3A : vector<16xi32> to vector<16xf32>
      %swap3A_89 = arith.constant 2 : i32
      %swap3A_90 = arith.index_cast %swap3A_89 : i32 to index
      %swap3A_91 = arith.index_cast %mul3A_67 : i32 to index
      %swap3A_92 = tpu.vector_load %arg10[%swap3A_90, %swap3A_91] {strides = array<i32>} : memref<4x1024xf32, #tpu.memory_space<vmem>>, vector<16xf32>,
      tpu.vector_store %arg10[%swap3A_90, %swap3A_91], %bitcast3A_88 {strides = array<i32>} : memref<4x1024xf32, #tpu.memory_space<vmem>>, vector<16xf32>,
      %and3A_93 = arith.andi %gather3A_74, %broadcast_in_dim3A_26 : vector<16xi32>
      %bitcast3A_94 = vector.bitcast %and3A_93 : vector<16xi32> to vector<16xf32>
      %swap3A_95 = arith.constant 3 : i32
      %swap3A_96 = arith.index_cast %swap3A_95 : i32 to index
      %swap3A_97 = arith.index_cast %mul3A_67 : i32 to index
      %swap3A_98 = tpu.vector_load %arg10[%swap3A_96, %swap3A_97] {strides = array<i32>} : memref<4x1024xf32, #tpu.memory_space<vmem>>, vector<16xf32>,
      tpu.vector_store %arg10[%swap3A_96, %swap3A_97], %bitcast3A_94 {strides = array<i32>} : memref<4x1024xf32, #tpu.memory_space<vmem>>, vector<16xf32>,
      %scan3A_99 = arith.constant 0 : i32
      scf.yield %scan3A_99 : i32
    }
    %scan3A_60 = arith.constant 32 : i32
    %run_scoped3A = arith.constant 0 : i32
    "tpu.region"() ({
      %run_scoped3A_64 = tpu.sem_alloc : memref<!tpu.dma_semaphore, #tpu.memory_space<semaphore_mem>>
      %dma_start3A_65 = arith.constant 0 : i32
      %dma_start3A_66 = tpu.memref_slice %arg10[%run_scoped3A, %dma_start3A_65] : memref<4x1024xf32, #tpu.memory_space<vmem>> -> memref<1x1024xf32, #tpu.memory_space<vmem>>
      %dma_start3A_67 = tpu.memref_squeeze %dma_start3A_66 : memref<1x1024xf32, #tpu.memory_space<vmem>> -> memref<1024xf32, #tpu.memory_space<vmem>>
      %dma_start3A_68 = tpu.memref_slice %arg4[%mul3A_2] : memref<32768xf32, #tpu.memory_space<hbm>> -> memref<1024xf32, #tpu.memory_space<hbm>>
      %dma_start3A_69 = tpu.memref_slice %arg4[%mul3A_2] : memref<32768xf32, #tpu.memory_space<hbm>> -> memref<1024xf32, #tpu.memory_space<hbm>>
      %dma_start3A_70 = arith.constant 0 : i32
      %dma_start3A_71 = tpu.memref_slice %arg10[%run_scoped3A, %dma_start3A_70] : memref<4x1024xf32, #tpu.memory_space<vmem>> -> memref<1x1024xf32, #tpu.memory_space<vmem>>
      %dma_start3A_72 = tpu.memref_squeeze %dma_start3A_71 : memref<1x1024xf32, #tpu.memory_space<vmem>> -> memref<1024xf32, #tpu.memory_space<vmem>>
      tpu.enqueue_dma source(%dma_start3A_72 : memref<1024xf32, #tpu.memory_space<vmem>>) target(%dma_start3A_69 : memref<1024xf32, #tpu.memory_space<hbm>>) target_semaphore(%run_scoped3A_64 : memref<!tpu.dma_semaphore, #tpu.memory_space<semaphore_mem>>)
      %dma_wait3A_73 = arith.constant 0 : i32
      %dma_wait3A_74 = tpu.memref_slice %arg10[%run_scoped3A, %dma_wait3A_73] : memref<4x1024xf32, #tpu.memory_space<vmem>> -> memref<1x1024xf32, #tpu.memory_space<vmem>>
      %dma_wait3A_75 = tpu.memref_squeeze %dma_wait3A_74 : memref<1x1024xf32, #tpu.memory_space<vmem>> -> memref<1024xf32, #tpu.memory_space<vmem>>
      %dma_wait3A_76 = tpu.memref_slice %arg4[%mul3A_2] : memref<32768xf32, #tpu.memory_space<hbm>> -> memref<1024xf32, #tpu.memory_space<hbm>>
      %dma_wait3A_77 = tpu.memref_slice %arg4[%mul3A_2] : memref<32768xf32, #tpu.memory_space<hbm>> -> memref<1024xf32, #tpu.memory_space<hbm>>
      %dma_wait3A_78 = arith.constant 0 : i32
      %dma_wait3A_79 = tpu.memref_slice %arg10[%run_scoped3A, %dma_wait3A_78] : memref<4x1024xf32, #tpu.memory_space<vmem>> -> memref<1x1024xf32, #tpu.memory_space<vmem>>
      %dma_wait3A_80 = tpu.memref_squeeze %dma_wait3A_79 : memref<1x1024xf32, #tpu.memory_space<vmem>> -> memref<1024xf32, #tpu.memory_space<vmem>>
      tpu.wait_dma2 semaphore(%run_scoped3A_64 : memref<!tpu.dma_semaphore, #tpu.memory_space<semaphore_mem>>) src(%dma_wait3A_80 : memref<1024xf32, #tpu.memory_space<vmem>>) dst(%dma_wait3A_77 : memref<1024xf32, #tpu.memory_space<hbm>>)
      tpu.yield
    }) : () -> ()
    %run_scoped3A_61 = arith.constant 1 : i32
    "tpu.region"() ({
      %run_scoped3A_64 = tpu.sem_alloc : memref<!tpu.dma_semaphore, #tpu.memory_space<semaphore_mem>>
      %dma_start3A_65 = arith.constant 0 : i32
      %dma_start3A_66 = tpu.memref_slice %arg10[%run_scoped3A_61, %dma_start3A_65] : memref<4x1024xf32, #tpu.memory_space<vmem>> -> memref<1x1024xf32, #tpu.memory_space<vmem>>
      %dma_start3A_67 = tpu.memref_squeeze %dma_start3A_66 : memref<1x1024xf32, #tpu.memory_space<vmem>> -> memref<1024xf32, #tpu.memory_space<vmem>>
      %dma_start3A_68 = tpu.memref_slice %arg5[%mul3A_2] : memref<32768xf32, #tpu.memory_space<hbm>> -> memref<1024xf32, #tpu.memory_space<hbm>>
      %dma_start3A_69 = tpu.memref_slice %arg5[%mul3A_2] : memref<32768xf32, #tpu.memory_space<hbm>> -> memref<1024xf32, #tpu.memory_space<hbm>>
      %dma_start3A_70 = arith.constant 0 : i32
      %dma_start3A_71 = tpu.memref_slice %arg10[%run_scoped3A_61, %dma_start3A_70] : memref<4x1024xf32, #tpu.memory_space<vmem>> -> memref<1x1024xf32, #tpu.memory_space<vmem>>
      %dma_start3A_72 = tpu.memref_squeeze %dma_start3A_71 : memref<1x1024xf32, #tpu.memory_space<vmem>> -> memref<1024xf32, #tpu.memory_space<vmem>>
      tpu.enqueue_dma source(%dma_start3A_72 : memref<1024xf32, #tpu.memory_space<vmem>>) target(%dma_start3A_69 : memref<1024xf32, #tpu.memory_space<hbm>>) target_semaphore(%run_scoped3A_64 : memref<!tpu.dma_semaphore, #tpu.memory_space<semaphore_mem>>)
      %dma_wait3A_73 = arith.constant 0 : i32
      %dma_wait3A_74 = tpu.memref_slice %arg10[%run_scoped3A_61, %dma_wait3A_73] : memref<4x1024xf32, #tpu.memory_space<vmem>> -> memref<1x1024xf32, #tpu.memory_space<vmem>>
      %dma_wait3A_75 = tpu.memref_squeeze %dma_wait3A_74 : memref<1x1024xf32, #tpu.memory_space<vmem>> -> memref<1024xf32, #tpu.memory_space<vmem>>
      %dma_wait3A_76 = tpu.memref_slice %arg5[%mul3A_2] : memref<32768xf32, #tpu.memory_space<hbm>> -> memref<1024xf32, #tpu.memory_space<hbm>>
      %dma_wait3A_77 = tpu.memref_slice %arg5[%mul3A_2] : memref<32768xf32, #tpu.memory_space<hbm>> -> memref<1024xf32, #tpu.memory_space<hbm>>
      %dma_wait3A_78 = arith.constant 0 : i32
      %dma_wait3A_79 = tpu.memref_slice %arg10[%run_scoped3A_61, %dma_wait3A_78] : memref<4x1024xf32, #tpu.memory_space<vmem>> -> memref<1x1024xf32, #tpu.memory_space<vmem>>
      %dma_wait3A_80 = tpu.memref_squeeze %dma_wait3A_79 : memref<1x1024xf32, #tpu.memory_space<vmem>> -> memref<1024xf32, #tpu.memory_space<vmem>>
      tpu.wait_dma2 semaphore(%run_scoped3A_64 : memref<!tpu.dma_semaphore, #tpu.memory_space<semaphore_mem>>) src(%dma_wait3A_80 : memref<1024xf32, #tpu.memory_space<vmem>>) dst(%dma_wait3A_77 : memref<1024xf32, #tpu.memory_space<hbm>>)
      tpu.yield
    }) : () -> ()
    %run_scoped3A_62 = arith.constant 2 : i32
    "tpu.region"() ({
      %run_scoped3A_64 = tpu.sem_alloc : memref<!tpu.dma_semaphore, #tpu.memory_space<semaphore_mem>>
      %dma_start3A_65 = arith.constant 0 : i32
      %dma_start3A_66 = tpu.memref_slice %arg10[%run_scoped3A_62, %dma_start3A_65] : memref<4x1024xf32, #tpu.memory_space<vmem>> -> memref<1x1024xf32, #tpu.memory_space<vmem>>
      %dma_start3A_67 = tpu.memref_squeeze %dma_start3A_66 : memref<1x1024xf32, #tpu.memory_space<vmem>> -> memref<1024xf32, #tpu.memory_space<vmem>>
      %dma_start3A_68 = tpu.memref_slice %arg6[%mul3A_2] : memref<32768xf32, #tpu.memory_space<hbm>> -> memref<1024xf32, #tpu.memory_space<hbm>>
      %dma_start3A_69 = tpu.memref_slice %arg6[%mul3A_2] : memref<32768xf32, #tpu.memory_space<hbm>> -> memref<1024xf32, #tpu.memory_space<hbm>>
      %dma_start3A_70 = arith.constant 0 : i32
      %dma_start3A_71 = tpu.memref_slice %arg10[%run_scoped3A_62, %dma_start3A_70] : memref<4x1024xf32, #tpu.memory_space<vmem>> -> memref<1x1024xf32, #tpu.memory_space<vmem>>
      %dma_start3A_72 = tpu.memref_squeeze %dma_start3A_71 : memref<1x1024xf32, #tpu.memory_space<vmem>> -> memref<1024xf32, #tpu.memory_space<vmem>>
      tpu.enqueue_dma source(%dma_start3A_72 : memref<1024xf32, #tpu.memory_space<vmem>>) target(%dma_start3A_69 : memref<1024xf32, #tpu.memory_space<hbm>>) target_semaphore(%run_scoped3A_64 : memref<!tpu.dma_semaphore, #tpu.memory_space<semaphore_mem>>)
      %dma_wait3A_73 = arith.constant 0 : i32
      %dma_wait3A_74 = tpu.memref_slice %arg10[%run_scoped3A_62, %dma_wait3A_73] : memref<4x1024xf32, #tpu.memory_space<vmem>> -> memref<1x1024xf32, #tpu.memory_space<vmem>>
      %dma_wait3A_75 = tpu.memref_squeeze %dma_wait3A_74 : memref<1x1024xf32, #tpu.memory_space<vmem>> -> memref<1024xf32, #tpu.memory_space<vmem>>
      %dma_wait3A_76 = tpu.memref_slice %arg6[%mul3A_2] : memref<32768xf32, #tpu.memory_space<hbm>> -> memref<1024xf32, #tpu.memory_space<hbm>>
      %dma_wait3A_77 = tpu.memref_slice %arg6[%mul3A_2] : memref<32768xf32, #tpu.memory_space<hbm>> -> memref<1024xf32, #tpu.memory_space<hbm>>
      %dma_wait3A_78 = arith.constant 0 : i32
      %dma_wait3A_79 = tpu.memref_slice %arg10[%run_scoped3A_62, %dma_wait3A_78] : memref<4x1024xf32, #tpu.memory_space<vmem>> -> memref<1x1024xf32, #tpu.memory_space<vmem>>
      %dma_wait3A_80 = tpu.memref_squeeze %dma_wait3A_79 : memref<1x1024xf32, #tpu.memory_space<vmem>> -> memref<1024xf32, #tpu.memory_space<vmem>>
      tpu.wait_dma2 semaphore(%run_scoped3A_64 : memref<!tpu.dma_semaphore, #tpu.memory_space<semaphore_mem>>) src(%dma_wait3A_80 : memref<1024xf32, #tpu.memory_space<vmem>>) dst(%dma_wait3A_77 : memref<1024xf32, #tpu.memory_space<hbm>>)
      tpu.yield
    }) : () -> ()
    %run_scoped3A_63 = arith.constant 3 : i32
    "tpu.region"() ({
      %run_scoped3A_64 = tpu.sem_alloc : memref<!tpu.dma_semaphore, #tpu.memory_space<semaphore_mem>>
      %dma_start3A_65 = arith.constant 0 : i32
      %dma_start3A_66 = tpu.memref_slice %arg10[%run_scoped3A_63, %dma_start3A_65] : memref<4x1024xf32, #tpu.memory_space<vmem>> -> memref<1x1024xf32, #tpu.memory_space<vmem>>
      %dma_start3A_67 = tpu.memref_squeeze %dma_start3A_66 : memref<1x1024xf32, #tpu.memory_space<vmem>> -> memref<1024xf32, #tpu.memory_space<vmem>>
      %dma_start3A_68 = tpu.memref_slice %arg7[%mul3A_2] : memref<32768xf32, #tpu.memory_space<hbm>> -> memref<1024xf32, #tpu.memory_space<hbm>>
      %dma_start3A_69 = tpu.memref_slice %arg7[%mul3A_2] : memref<32768xf32, #tpu.memory_space<hbm>> -> memref<1024xf32, #tpu.memory_space<hbm>>
      %dma_start3A_70 = arith.constant 0 : i32
      %dma_start3A_71 = tpu.memref_slice %arg10[%run_scoped3A_63, %dma_start3A_70] : memref<4x1024xf32, #tpu.memory_space<vmem>> -> memref<1x1024xf32, #tpu.memory_space<vmem>>
      %dma_start3A_72 = tpu.memref_squeeze %dma_start3A_71 : memref<1x1024xf32, #tpu.memory_space<vmem>> -> memref<1024xf32, #tpu.memory_space<vmem>>
      tpu.enqueue_dma source(%dma_start3A_72 : memref<1024xf32, #tpu.memory_space<vmem>>) target(%dma_start3A_69 : memref<1024xf32, #tpu.memory_space<hbm>>) target_semaphore(%run_scoped3A_64 : memref<!tpu.dma_semaphore, #tpu.memory_space<semaphore_mem>>)
      %dma_wait3A_73 = arith.constant 0 : i32
      %dma_wait3A_74 = tpu.memref_slice %arg10[%run_scoped3A_63, %dma_wait3A_73] : memref<4x1024xf32, #tpu.memory_space<vmem>> -> memref<1x1024xf32, #tpu.memory_space<vmem>>
      %dma_wait3A_75 = tpu.memref_squeeze %dma_wait3A_74 : memref<1x1024xf32, #tpu.memory_space<vmem>> -> memref<1024xf32, #tpu.memory_space<vmem>>
      %dma_wait3A_76 = tpu.memref_slice %arg7[%mul3A_2] : memref<32768xf32, #tpu.memory_space<hbm>> -> memref<1024xf32, #tpu.memory_space<hbm>>
      %dma_wait3A_77 = tpu.memref_slice %arg7[%mul3A_2] : memref<32768xf32, #tpu.memory_space<hbm>> -> memref<1024xf32, #tpu.memory_space<hbm>>
      %dma_wait3A_78 = arith.constant 0 : i32
      %dma_wait3A_79 = tpu.memref_slice %arg10[%run_scoped3A_63, %dma_wait3A_78] : memref<4x1024xf32, #tpu.memory_space<vmem>> -> memref<1x1024xf32, #tpu.memory_space<vmem>>
      %dma_wait3A_80 = tpu.memref_squeeze %dma_wait3A_79 : memref<1x1024xf32, #tpu.memory_space<vmem>> -> memref<1024xf32, #tpu.memory_space<vmem>>
      tpu.wait_dma2 semaphore(%run_scoped3A_64 : memref<!tpu.dma_semaphore, #tpu.memory_space<semaphore_mem>>) src(%dma_wait3A_80 : memref<1024xf32, #tpu.memory_space<vmem>>) dst(%dma_wait3A_77 : memref<1024xf32, #tpu.memory_space<hbm>>)
      tpu.yield
    }) : () -> ()
    return
  }
}

module attributes {stable_mosaic.version = 14 : i64} {
  func.func @_logits_tc_kernel(%arg0: i32, %arg1: memref<64x16384xf32, #tpu.memory_space<vmem>>, %arg2: memref<24x64xf32, #tpu.memory_space<vmem>>, %arg3: memref<24x1xf32, #tpu.memory_space<vmem>>, %arg4: memref<12x16384xi32, #tpu.memory_space<vmem>>) attributes {dimension_semantics = [#tpu.dimension_semantics<arbitrary>], iteration_bounds = array<i64: 2>, scalar_prefetch = 0 : i64, scratch_operands = 0 : i64, tpu.core_type = #tpu.core_type<tc>, window_params = [{transform_indices = @transform_0, window_bounds = array<i64: 64, 16384>}, {pipeline_mode = #tpu.pipeline_mode<synchronous>, transform_indices = @transform_1, window_bounds = array<i64: 24, 64>}, {pipeline_mode = #tpu.pipeline_mode<synchronous>, transform_indices = @transform_2, window_bounds = array<i64: 24, 1>}, {transform_indices = @transform_3, window_bounds = array<i64: 12, 16384>}]} {
    %get3A = arith.constant 0 : index
    %get3A_0 = arith.constant 0 : index
    %get3A_1 = vector.load %arg2[%get3A, %get3A_0] : memref<24x64xf32, #tpu.memory_space<vmem>>, vector<24x64xf32>
    %get3A_2 = arith.constant 0 : index
    %get3A_3 = arith.constant 0 : index
    %get3A_4 = vector.load %arg1[%get3A_2, %get3A_3] : memref<64x16384xf32, #tpu.memory_space<vmem>>, vector<64x16384xf32>
    %dot_general3A = arith.constant dense<0.000000e+00> : vector<24x16384xf32>
    %dot_general3A_5 = tpu.matmul %get3A_1, %get3A_4, %dot_general3A {dimension_numbers = #tpu.dot_dimension_numbers<[1], [0], [0], [1], [0, 0, 1, 1], [], []>, transpose_lhs_hint = false} : vector<24x64xf32>, vector<64x16384xf32>, vector<24x16384xf32> -> vector<24x16384xf32>
    %get3A_6 = arith.constant 0 : index
    %get3A_7 = arith.constant 0 : index
    %get3A_8 = vector.load %arg3[%get3A_6, %get3A_7] : memref<24x1xf32, #tpu.memory_space<vmem>>, vector<24x1xf32>
    %add3A = vector.broadcast %get3A_8 : vector<24x1xf32> to vector<24x16384xf32>
    %add3A_9 = arith.addf %dot_general3A_5, %add3A : vector<24x16384xf32>
    %slice3A = vector.extract_strided_slice %add3A_9 {offsets = [0, 0], sizes = [12, 16384], strides = [1, 1]} : vector<24x16384xf32> to vector<12x16384xf32>
    %bitcast_convert_type3A = tpu.bitcast %slice3A : vector<12x16384xf32> -> vector<12x16384xi32>
    %add3A_10 = arith.constant 32767 : i32
    %add3A_11 = vector.broadcast %add3A_10 : i32 to vector<12x16384xi32>
    %add3A_12 = arith.addi %bitcast_convert_type3A, %add3A_11 : vector<12x16384xi32>
    %shift_right_logical3A = arith.constant 16 : i32
    %shift_right_logical3A_13 = vector.broadcast %shift_right_logical3A : i32 to vector<12x16384xi32>
    %shift_right_logical3A_14 = arith.shrui %bitcast_convert_type3A, %shift_right_logical3A_13 : vector<12x16384xi32>
    %and3A = arith.constant 1 : i32
    %and3A_15 = vector.broadcast %and3A : i32 to vector<12x16384xi32>
    %and3A_16 = arith.andi %shift_right_logical3A_14, %and3A_15 : vector<12x16384xi32>
    %add3A_17 = arith.addi %add3A_12, %and3A_16 : vector<12x16384xi32>
    %shift_right_logical3A_18 = arith.constant 16 : i32
    %shift_right_logical3A_19 = vector.broadcast %shift_right_logical3A_18 : i32 to vector<12x16384xi32>
    %shift_right_logical3A_20 = arith.shrui %add3A_17, %shift_right_logical3A_19 : vector<12x16384xi32>
    %slice3A_21 = vector.extract_strided_slice %add3A_9 {offsets = [12, 0], sizes = [12, 16384], strides = [1, 1]} : vector<24x16384xf32> to vector<12x16384xf32>
    %bitcast_convert_type3A_22 = tpu.bitcast %slice3A_21 : vector<12x16384xf32> -> vector<12x16384xi32>
    %add3A_23 = arith.constant 32767 : i32
    %add3A_24 = vector.broadcast %add3A_23 : i32 to vector<12x16384xi32>
    %add3A_25 = arith.addi %bitcast_convert_type3A_22, %add3A_24 : vector<12x16384xi32>
    %shift_right_logical3A_26 = arith.constant 16 : i32
    %shift_right_logical3A_27 = vector.broadcast %shift_right_logical3A_26 : i32 to vector<12x16384xi32>
    %shift_right_logical3A_28 = arith.shrui %bitcast_convert_type3A_22, %shift_right_logical3A_27 : vector<12x16384xi32>
    %and3A_29 = arith.constant 1 : i32
    %and3A_30 = vector.broadcast %and3A_29 : i32 to vector<12x16384xi32>
    %and3A_31 = arith.andi %shift_right_logical3A_28, %and3A_30 : vector<12x16384xi32>
    %add3A_32 = arith.addi %add3A_25, %and3A_31 : vector<12x16384xi32>
    %shift_right_logical3A_33 = arith.constant 16 : i32
    %shift_right_logical3A_34 = vector.broadcast %shift_right_logical3A_33 : i32 to vector<12x16384xi32>
    %shift_right_logical3A_35 = arith.shrui %add3A_32, %shift_right_logical3A_34 : vector<12x16384xi32>
    %shift_left3A = arith.constant 16 : i32
    %shift_left3A_36 = vector.broadcast %shift_left3A : i32 to vector<12x16384xi32>
    %shift_left3A_37 = arith.shli %shift_right_logical3A_35, %shift_left3A_36 : vector<12x16384xi32>
    %or3A = arith.ori %shift_right_logical3A_20, %shift_left3A_37 : vector<12x16384xi32>
    %bitcast_convert_type3A_38 = tpu.bitcast %or3A : vector<12x16384xi32> -> vector<12x16384xi32>
    %swap3A = arith.constant 0 : index
    %swap3A_39 = arith.constant 0 : index
    %swap3A_40 = vector.load %arg4[%swap3A, %swap3A_39] : memref<12x16384xi32, #tpu.memory_space<vmem>>, vector<12x16384xi32>
    tpu.vector_store %arg4[%swap3A, %swap3A_39], %bitcast_convert_type3A_38 {strides = array<i32>} : memref<12x16384xi32, #tpu.memory_space<vmem>>, vector<12x16384xi32>,
    return
  }
  func.func @transform_0(%arg0: i32) -> (i32, i32) {
    %c0_i32 = arith.constant 0 : i32
    %c0_i32_0 = arith.constant 0 : i32
    return %c0_i32, %arg0 : i32, i32
  }
  func.func @transform_1(%arg0: i32) -> (i32, i32) {
    %c0_i32 = arith.constant 0 : i32
    %c0_i32_0 = arith.constant 0 : i32
    %c0_i32_1 = arith.constant 0 : i32
    return %c0_i32, %c0_i32_0 : i32, i32
  }
  func.func @transform_2(%arg0: i32) -> (i32, i32) {
    %c0_i32 = arith.constant 0 : i32
    %c0_i32_0 = arith.constant 0 : i32
    %c0_i32_1 = arith.constant 0 : i32
    return %c0_i32, %c0_i32_0 : i32, i32
  }
  func.func @transform_3(%arg0: i32) -> (i32, i32) {
    %c0_i32 = arith.constant 0 : i32
    %c0_i32_0 = arith.constant 0 : i32
    return %c0_i32, %arg0 : i32, i32
  }
}

</mosaic_0001>

<sc_bundles>
// kernel: kernel.4.cloned.1.call-start
scs
__scs_entry_jumppad:
0x0: {  	(pc) =	sbr.rel $0x88, $3  }
0x1: {  	(tag) =	ssettag $0x0;
	lr =	simm.s32 $0x1  }
0x2: {  	[smem:$0x3F9D] =	sst lr;
	_ =	strace $0xD0000000  }
0x3: {  	_ = 	snop  }
0x4: {  	_ = 	snop  }
0x5: {  	_ = 	snop  }
0x6: {  	_ = 	snop  }
0x7: {  	_ = 	snop  }
__scs_overlays_trampoline_lowered:
0x8: {  	[smem:$0x3FAC] =	sst s0  }
0x9: {  	[smem:$0x3FAD] =	sst s1  }
0xa: {  	[smem:$0x3FAE] =	sst s2  }
0xb: {  	[smem:$0x3FAF] =	sst s3  }
0xc: {  	[smem:$0x3FB0] =	sst s4  }
0xd: {  	[smem:$0x3FB1] =	sst s5  }
0xe: {  	[smem:$0x3FB2] =	sst s6  }
0xf: {  	[smem:$0x3FB3] =	sst s7  }
0x10: {  	[smem:$0x3FB4] =	sst s8  }
0x11: {  	[smem:$0x3FB5] =	sst s9;
	s0 =	simm.s32 @!p0 $0x0  }
0x12: {  	s1 =	sld [smem:$0x3F9B];
	s0 =	simm.s32 @p0 $0x1  }
0x13: {  	[smem:$0x3FB6] =	sst s0;
	s0 =	simm.s32 @!p1 $0x0  }
0x14: {  	s2 =	sld [smem:$0x3F9A];
	s0 =	simm.s32 @p1 $0x1  }
0x15: {  	[smem:$0x3FB7] =	sst s0;
	s0 =	simm.s32 @!p2 $0x0  }
0x16: {  	s3 =	sld [smem:$0x3FDB];
	s0 =	simm.s32 @p2 $0x1  }
0x17: {  	s4 =	simm.s32 $0x1BF5;
	[smem:$0x3FB9] =	sst s0  }
0x18: {  	s0 =	sld [smem:$0x3F9C];
	_ =	swait.ge [sflag:s4], $0x0  }
0x19: {  	s7 =	sld [smem:$0x3F9D]  }
0x1a: {  	s8 =	sadd.s32 $0xFFFFE003, lr  }
0x1b: {  	s9 =	sadd.s32 $0xFFFFFEF7, lr;
	s5 =	simm.s32 $0xFFFFFFFF;
	p2 =	slt.u32 s8, $0xFFFFF086  }
0x1c: {  	p1 =	slt.u32 s9, $0xF7A;
	s5 =	simm.s32 @!p2 $0x0  }
0x1d: {  	s5 =	simm.s32 @p1 $0x1;
	p0 =	seq.s32 s7, s2  }
0x1e: {  	s7 =	smul.u32 @!p0 $0xF7A, s2;
	p2 =	seq.s32 @!p0 s5, $0x0  }
0x1f: {  	s9 =	smul.u32 $0xF7A, s1;
	s8 =	simm.s32 @!p0 $0x1BF5;
	p2 =	por !p2, p0  }
0x20: {  	[sflag:s8] =	ssyncset.s32 @!p0 $0xFFFFF086;
	s6 =	sadd.s32 @!p0 s3, s7;
	s7 =	simm.s32 @!p0 $0x108  }
0x21: {  	s3 =	sadd.s32 s3, s9;
	s6 =	sadd.s32 @!p0 $0x88, s6;
	s7 =	simm.s32 @p2 $0x1082  }
0x22: {  	[simem:s7], [sflag:s8] =	dma.local @!p0 [hbm:s6], $0xF7A  }
0x23: {  	s9 =	sor.u32 $0xD0000000, s2;
	s6 =	simm.s32 $0x108;
	_ =	swait.ge @!p0 [sflag:s8], $0x0  }
0x24: {  	s3 =	sadd.s32 $0x88, s3;
	s6 =	simm.s32 @!p1 $0x1082;
	[sflag:s4] =	ssyncset.s32 $0xFFFFF086  }
0x25: {  	[simem:s6], [sflag:s4] =	dma.local [hbm:s3], $0xF7A  }
0x26: {  	[smem:$0x3F9D] =	sst s1;
	(tag) =	ssettag s2;
	_ =	strace s9  }
0x27: {  	s1 =	sld [smem:$0x3FAD]  }
0x28: {  	s2 =	sld [smem:$0x3FAE]  }
0x29: {  	s4 =	sld [smem:$0x3FB0]  }
0x2a: {  	p0 =	seq.s32 s5, $0x0;
	s5 =	sld [smem:$0x3FB1]  }
0x2b: {  	s6 =	sld [smem:$0x3FB2]  }
0x2c: {  	s7 =	sld [smem:$0x3FB3]  }
0x2d: {  	s3 =	simm.s32 $0x108;
	s8 =	sld [smem:$0x3FB4]  }
0x2e: {  	s3 =	simm.s32 @!p0 $0x1082;
	s9 =	sld [smem:$0x3FB5]  }
0x2f: {  	lr =	sadd.s32 s0, s3;
	s0 =	sld [smem:$0x3FAC]  }
0x30: {  	s3 =	sld [smem:$0x3FAF]  }
0x31: {  	[smem:$0x3FB8] =	sst s10  }
0x32: {  	s10 =	sld [smem:$0x3FB6];
	_ =	sdelay $0x3  }
0x33: {  	p0 =	seq.s32 s10, $0x1;
	s10 =	sld [smem:$0x3FB8];
	_ =	sdelay $0x3  }
0x34: {  	[smem:$0x3FB8] =	sst s10  }
0x35: {  	s10 =	sld [smem:$0x3FB7];
	_ =	sdelay $0x3  }
0x36: {  	p1 =	seq.s32 s10, $0x1;
	s10 =	sld [smem:$0x3FB8];
	_ =	sdelay $0x3  }
0x37: {  	[smem:$0x3FB8] =	sst s10  }
0x38: {  	s10 =	sld [smem:$0x3FB9]  }
0x39: {  	_ = 	snop;
	(pc) =	sbr.ind lr, $3  }
0x3a: {  	_ = 	snop  }
0x3b: {  	_ = 	snop  }
0x3c: {  	p2 =	seq.s32 s10, $0x1;
	s10 =	sld [smem:$0x3FB8]  }
0x3d: {  	_ =	shalt  }
0x3e: {  	_ =	shalt  }
0x3f: {  	_ =	shalt  }
0x40: {  	_ =	shalt  }
0x41: {  	_ =	shalt  }
0x42: {  	_ =	shalt  }
0x43: {  	_ =	shalt  }
0x44: {  	_ =	shalt  }
0x45: {  	_ =	shalt  }
0x46: {  	_ =	shalt  }
0x47: {  	_ =	shalt  }
0x48: {  	_ =	shalt  }
0x49: {  	_ =	shalt  }
0x4a: {  	_ =	shalt  }
0x4b: {  	_ =	shalt  }
0x4c: {  	_ =	shalt  }
0x4d: {  	_ =	shalt  }
0x4e: {  	_ =	shalt  }
0x4f: {  	_ =	shalt  }
0x50: {  	_ =	shalt  }
0x51: {  	_ =	shalt  }
0x52: {  	_ =	shalt  }
0x53: {  	_ =	shalt  }
0x54: {  	_ =	shalt  }
0x55: {  	_ =	shalt  }
0x56: {  	_ =	shalt  }
0x57: {  	_ =	shalt  }
0x58: {  	_ =	shalt  }
0x59: {  	_ =	shalt  }
0x5a: {  	_ =	shalt  }
0x5b: {  	_ =	shalt  }
0x5c: {  	_ =	shalt  }
0x5d: {  	_ =	shalt  }
0x5e: {  	_ =	shalt  }
0x5f: {  	_ =	shalt  }
0x60: {  	_ =	shalt  }
0x61: {  	_ =	shalt  }
0x62: {  	_ =	shalt  }
0x63: {  	_ =	shalt  }
0x64: {  	_ =	shalt  }
0x65: {  	_ =	shalt  }
0x66: {  	_ =	shalt  }
0x67: {  	_ =	shalt  }
0x68: {  	_ =	shalt  }
0x69: {  	_ =	shalt  }
0x6a: {  	_ =	shalt  }
0x6b: {  	_ =	shalt  }
0x6c: {  	_ =	shalt  }
0x6d: {  	_ =	shalt  }
0x6e: {  	_ =	shalt  }
0x6f: {  	_ =	shalt  }
0x70: {  	_ =	shalt  }
0x71: {  	_ =	shalt  }
0x72: {  	_ =	shalt  }
0x73: {  	_ =	shalt  }
0x74: {  	_ =	shalt  }
0x75: {  	_ =	shalt  }
0x76: {  	_ =	shalt  }
0x77: {  	_ =	shalt  }
0x78: {  	_ =	shalt  }
0x79: {  	_ =	shalt  }
0x7a: {  	_ =	shalt  }
0x7b: {  	_ =	shalt  }
0x7c: {  	_ =	shalt  }
0x7d: {  	_ =	shalt  }
0x7e: {  	_ =	shalt  }
0x7f: {  	_ =	shalt  }
0x80: {  	_ =	shalt  }
0x81: {  	_ =	shalt  }
0x82: {  	_ =	shalt  }
0x83: {  	_ =	shalt  }
0x84: {  	_ =	shalt  }
0x85: {  	_ =	shalt  }
0x86: {  	_ =	shalt  }
0x87: {  	_ =	shalt  }
.Lfunc_end0:
.L_simem_size_0:
called_computation_lowered:
.L_overlay_start_0:
0x88: {  	s2 =	sld [smem:$0x3FD9]  }
0x89: {  	s3 =	sld [smem:$0x3FFE];
	_ =	sdelay $0x1  }
0x8a: {  	s1 =	srdreg.scid  }
0x8b: {  	s0 =	sand.u32 $0x1, s1  }
0x8c: {  	s14 =	sshll.u32 s0, $0xA;
	s2 =	sadd.s32 s3, s2  }
0x8d: {  	s2 =	sadd.s32 s2, s14  }
0x8e: {  	[smem:$0x3FC4] =	sst s2  }
0x8f: {  	_ = 	snop  }
0x90: {  	s2 =	sld [smem:$0x3FD0];
	_ =	sdelay $0x2  }
0x91: {  	s4 =	simm.s32 $0xA;
	s5 =	simm.s32 $0x10;
	s15 =	sld [smem:$0x3FC8]  }
0x92: {  	[smem:s5], [sflag:s4] =	dma.local [hbm:s2], $0x1  }
0x93: {  	_ =	swait.eq [sflag:s4], $0x1  }
0x94: {  	s16 =	sld [smem:$0x10]  }
0x95: {  	s17 =	sld [smem:$0x11];
	[sflag:s4] =	ssyncset.done $0x0  }
0x96: {  	s6 =	sld [smem:$0x12];
	[sflag:s4] =	ssyncadd.s32 $0xFFFFFFFF  }
0x97: {  	s18 =	sld [smem:$0x13];
	(tm) =	ssettm $0x1  }
0x98: {  	s7 =	sld [smem:$0x3FFB];
	_ =	sdelay $0x3  }
0x99: {  	_ =	strace s7  }
0x9a: {  	s7 =	sld [smem:$0x3FFC];
	_ =	sdelay $0x3  }
0x9b: {  	_ =	strace s7  }
0x9c: {  	s7 =	sld [smem:$0x3FFD];
	_ =	sdelay $0x3  }
0x9d: {  	_ =	strace s7  }
0x9e: {  	_ =	strace $0x8FFFFFFF  }
0x9f: {  	s19 =	sld [smem:$0x3FDB];
	_ =	sdelay $0x1  }
0xa0: {  	s8 =	simm.s32 $_scs_section_size  }
0xa1: {  	s9 =	simm.s32 $_size__tile_overlayer_lowered;
	s10 =	simm.s32 $_tile_overlayer_lowered  }
0xa2: {  	s22 =	simm.s32 $0x1BFF;
	s21 =	sshll.u32 s10, $0x1;
	s7 =	sadd.s32 s8, s19  }
0xa3: {  	s11 =	simm.s32 $0x0;
	s20 =	sshll.u32 s9, $0x1;
	s9 =	sadd.s32 s21, s7  }
0xa4: {  	[timem:s11], [sflag:s22] =	dma.local [hbm:s9], s20  }
0xa5: {  	_ =	swait.ge [sflag:s22], s20  }
0xa6: {  	s8 =	ssub.s32 $0x0, s20;
	[sflag:s22] =	ssyncset.done $0x0  }
0xa7: {  	[sflag:s22] =	ssyncadd.s32 s8;
	_ =	sdelay $0x1  }
0xa8: {  	s23 =	simm.s32 $0x1B8B  }
0xa9: {  	_ =	swait.ge [sflag:s23], $0x1  }
0xaa: {  	[sflag:s23] =	ssyncset.done $0x0  }
0xab: {  	s25 =	simm.s32 $0x1B8E;
	s24 =	sld [smem:$0x3FFE];
	[sflag:s23] =	ssyncadd.s32 $0xFFFFFFFF  }
0xac: {  	s26 =	simm.s32 $execute0_lowered;
	[smem:$0x3FD2] =	sst s25  }
0xad: {  	s9 =	sshll.u32 s26, $0x1;
	_ =	strace $0x80000046;
	[dreg:$0x1] =	wrdreg $0xFFFFFFFF  }
0xae: {  	s28 =	simm.s32 $_size_execute0_lowered;
	s7 =	sadd.s32 s7, s9;
	[dreg:$0x0] =	wrdreg $0x0  }
0xaf: {  	s9 =	sshll.u32 s28, $0x1;
	[dreg:$0x2] =	wrdreg s7  }
0xb0: {  	[dreg:$0x3] =	wrdreg s9  }
0xb1: {  	[dreg:$0x4] =	wrdreg $0xC0  }
0xb2: {  	_ =	task [dreg:s11], $0x5FFFF  }
0xb3: {  	[dreg:$0x1] =	wrdreg $0xFFFFFFFF  }
0xb4: {  	[dreg:$0x0] =	wrdreg $0x60  }
0xb5: {  	[dreg:$0x2] =	wrdreg s24  }
0xb6: {  	[dreg:$0x3] =	wrdreg s15  }
0xb7: {  	[dreg:$0x4] =	wrdreg s16  }
0xb8: {  	[dreg:$0x5] =	wrdreg s17  }
0xb9: {  	[dreg:$0x6] =	wrdreg s6  }
0xba: {  	[dreg:$0x7] =	wrdreg s18  }
0xbb: {  	[dreg:$0x8] =	wrdreg $0x9  }
0xbc: {  	_ =	task.clear_ibuf [dreg:s11], $0x9FFFF;
	_ =	strace $0x90000046  }
0xbd: {  	s29 =	simm.s32 $0x9;
	_ =	strace $0x80000048  }
0xbe: {  	_ =	swait.ge [sflag:s29], $0x1  }
0xbf: {  	[sflag:s29] =	ssyncadd.s32 $0xFFFFFFFF  }
0xc0: {  	_ =	strace $0x90000048  }
0xc1: {  	_ =	sfence  }
0xc2: {  	s30 =	sld [smem:$0x0];
	_ =	sdelay $0x2  }
0xc3: {  	s31 =	sshll.u32 s1, $0xD;
	s1 =	sshrl.u32 s1, $0x2  }
0xc4: {  	s3 =	sand.u32 $0x4000, s31;
	s1 =	sadd.s32 s1, s30  }
0xc5: {  	s0 =	sor.u32 s3, s0;
	s1 =	sshll.u32 s1, $0x11  }
0xc6: {  	s0 =	sor.u32 s1, s0  }
0xc7: {  	s0 =	sadd.s32 $0x8F2B, s0  }
0xc8: {  	[sflag:s0] =	ssyncadd.remote.s32 $0x1  }
0xc9: {  	_ =	sfence.sel $0xFFFF  }
0xca: {  	[dreg:$0x0] =	wrdreg $0xFFFFFFFF;
	(pc) =	sbr.abs _section_cstart, $3  }
0xcb: {  	[dreg:$0x1] =	wrdreg $0xFFFFFFFF  }
0xcc: {  	_ =	task.clear_ibuf [dreg:s11], $0x2FFFF;
	_ =	strace $0x9FFFFFFF  }
0xcd: {  	(tm) =	ssettm $0x7FFFFFFF  }
tec
execute0_lowered:
.L_overlay_start_1:
0x0: {  	(tag) =	ssettag $0x1  }
0x1: {  	s0 =	rddreg [dreg:$0x0]  }
0x2: {  	s1 =	rddreg [dreg:$0x1]  }
0x3: {  	s6 =	rddreg [dreg:$0x2]  }
0x4: {  	s7 =	rddreg [dreg:$0x3]  }
0x5: {  	s8 =	rddreg [dreg:$0x4]  }
0x6: {  	s9 =	rddreg [dreg:$0x5]  }
0x7: {  	s2 =	simm.s32 $0x0;
	s3 =	srdreg.scid;
	s4 =	stileid.u32  }
0x8: {  	s13 =	simm.s32 $0x400;
	s17 =	simm.s32 $0x1;
	s18 =	simm.s32 $0x2  }
0x9: {  	s19 =	simm.s32 $0x3;
	s29 =	simm.s32 $0x4;
	s14 =	simm.s32 $0x4B80  }
0xa: {  	s15 =	simm.s32 $0x4D80;
	s16 =	simm.s32 $0x4F80;
	s20 =	simm.s32 $0x5180  }
0xb: {  	s21 =	simm.s32 $0x5380;
	s22 =	simm.s32 $0x0;
	s3 =	sand.u32 $0x1, s3  }
0xc: {  	[smem:$0x7FF] =	sst s2;
	s4 =	sshll.u32 s4, $0xB;
	s5 =	sshll.u32 s3, $0xA  }
0xd: {  	s3 =	ssub.s32 $0x2, s3;
	_ =	strace $0x80000047;
	s4 =	sor.u32 s5, s4  }
0xe: {  	s31 =	sshrl.u32 s3, $0x1;
	s0 =	sadd.s32 s4, s0;
	s11 =	sshrl.u32 s4, $0x3  }
0xf: {  	s10 =	ssub.s32 s3, s31;
	s3 =	sadd.s32 s1, s11;
	s4 =	sadd.s32 $0xA00, s0  }
0x10: {  	s5 =	sadd.s32 $0xC00, s0;
	s6 =	sadd.s32 s6, s11;
	s7 =	sadd.s32 s7, s11  }
0x11: {  	s8 =	sadd.s32 s8, s11;
	s9 =	sadd.s32 s9, s11;
	s10 =	smax.u32 s10, $0x1  }
0x12: {  	v0 =	vlaneseq.u32;
	s11 =	sadd.s32 $0x8A00, s0;
	s12 =	sadd.s32 $0x8C00, s0;
	s1 =	simm.s32 $0x4980  }
.LBB2_1:
0x13: {  	[tilespmem:s2], [sflag:$0x1] =	stream.linear.gather [hbm4b:s3+s2], $0x400, $0x38;
	[tilespmem:$0x5400] =	vst v63  }
0x14: {  	_ = 	snop  }
0x15: {  	[tilespmem:s13], [sflag:$0x2] =	stream.linear.gather [hbm4b:s4+s2], $0x1000, $0x38;
	[tilespmem:$0x5400] =	vst v63  }
0x16: {  	s0 =	simm.s32 $0x2400  }
0x17: {  	[tilespmem:s0], [sflag:$0x2] =	stream.linear.gather [hbm4b:s11+s2], $0x1000, $0x38;
	[tilespmem:$0x5400] =	vst v63  }
0x18: {  	s30 =	simm.s32 $0x1400  }
0x19: {  	[tilespmem:s30], [sflag:$0x3] =	stream.linear.gather [hbm4b:s5+s2], $0x1000, $0x38;
	[tilespmem:$0x5400] =	vst v63  }
0x1a: {  	s31 =	simm.s32 $0x3400  }
0x1b: {  	[tilespmem:s31], [sflag:$0x3] =	stream.linear.gather [hbm4b:s12+s2], $0x1000, $0x38;
	[tilespmem:$0x5400] =	vst v63  }
0x1c: {  	_ =	swait.ge [sflag:s17], $0x400  }
0x1d: {  	[sflag:s17] =	ssyncset.done $0x0  }
0x1e: {  	[sflag:s17] =	ssyncadd.s32 $0xFFFFFC00  }
0x1f: {  	_ =	swait.ge [sflag:s18], $0x2000  }
0x20: {  	[sflag:s18] =	ssyncset.done $0x0  }
0x21: {  	s23 =	simm.s32 $0x0;
	[sflag:s18] =	ssyncadd.s32 $0xFFFFE000  }
0x22: {  	v3 =	vld [tilespmem:s23+$0x0];
	_ =	sdelay $0x2  }
0x23: {  	v1 =	vmov s2;
	v2 =	vor.u32 s2, v0  }
0x24: {  	v4 =	vshll.u32 v1, $0x3;
	v1 =	vand.u32 $0x7F, v2  }
0x25: {  	v2 =	vand.u32 $0xC00, v4;
	v4 =	vshll.u32 v3, $0xA;
	v5 =	vshll.u32 v3, $0x7  }
0x26: {  	v3 =	vadd.s32 $0x6, v3;
	v4 =	vand.u32 $0xFFFFE000, v4;
	v5 =	vand.u32 $0x380, v5  }
0x27: {  	s24 =	simm.s32 $0x10;
	v6 =	vshll.u32 v3, $0xA;
	v4 =	vor.u32 v4, v5;
	v5 =	vshll.u32 v3, $0x7  }
0x28: {  	s26 =	simm.s32 $0x0;
	s25 =	simm.s32 $0x0;
	s23 =	sand.u32 $0x600, s2;
	v3 =	vor.u32 v2, v4;
	v4 =	vand.u32 $0xFFFFE000, v6;
	v5 =	vand.u32 $0x380, v5  }
.LBB2_2:
0x29: {  	p0 =	sne.s32 s24, $0x1F0  }
0x2a: {  	v3 =	vor.u32 v1, v3;
	v4 =	vor.u32 v4, v5;
	s26 =	sadd.s32 $0x40, s26;
	s28 =	smov.u32 s24;
	s24 =	sadd.s32 $0x10, s24  }
0x2b: {  	s30 =	sand.u32 $0x600, s26;
	v2 =	vor.u32 v2, v4  }
0x2c: {  	s31 =	sshra.s32 s26, $0x2;
	v1 =	vor.u32 v1, v2;
	_ =	sdelay $0x2  }
0x2d: {  	v2 =	vld.idx.msk [tilespmem:v3+s13+$0x0], $0xffff;
	_ =	sdelay $0x1  }
0x2e: {  	v1 =	vld.idx.msk [tilespmem:v1+s13+$0x0], $0xffff;
	_ =	sdelay $0x2  }
0x2f: {  	s0 =	sand.u32 $0x70, s25;
	s25 =	smov.u32 s28  }
0x30: {  	s0 =	sor.u32 s0, s23;
	s23 =	smov.u32 s30;
	v3 =	vshll.u32 v2, $0x10;
	v2 =	vand.u32 $0xFFFF0000, v2  }
0x31: {  	v4 =	vmov s25;
	[tilespmem:s0+$0x4400] =	vst v3  }
0x32: {  	v3 =	vshll.u32 v1, $0x10;
	v5 =	vand.u32 $0xFFFF0000, v1;
	[tilespmem:s0+$0x4500] =	vst v2  }
0x33: {  	v1 =	vor.u32 s25, v0;
	v2 =	vshll.u32 v4, $0x3;
	[tilespmem:s0+$0x4480] =	vst v3  }
0x34: {  	v1 =	vand.u32 $0x7F, v1;
	v2 =	vand.u32 $0xC00, v2;
	[tilespmem:s0+$0x4580] =	vst v5  }
0x35: {  	v3 =	vld [tilespmem:s31+$0x0];
	_ =	sdelay $0x3  }
.Ltmp0:
0x36: {  	(pc) =	sbr.rel @p0 .LBB2_2-.Ltmp0, $4  }
0x37: {  	v4 =	vshll.u32 v3, $0xA;
	v5 =	vshll.u32 v3, $0x7;
	v3 =	vadd.s32 $0x6, v3  }
0x38: {  	v4 =	vand.u32 $0xFFFFE000, v4;
	v5 =	vand.u32 $0x380, v5;
	v6 =	vshll.u32 v3, $0xA  }
0x39: {  	v4 =	vor.u32 v4, v5;
	v5 =	vshll.u32 v3, $0x7  }
0x3a: {  	v3 =	vor.u32 v2, v4;
	v4 =	vand.u32 $0xFFFFE000, v6;
	v5 =	vand.u32 $0x380, v5  }
0x3b: {  	v3 =	vor.u32 v1, v3;
	v4 =	vor.u32 v4, v5  }
0x3c: {  	v2 =	vor.u32 v2, v4  }
0x3d: {  	v1 =	vor.u32 v1, v2;
	_ =	sdelay $0x2  }
0x3e: {  	v2 =	vld.idx.msk [tilespmem:v3+s13+$0x0], $0xffff;
	_ =	sdelay $0x1  }
0x3f: {  	v1 =	vld.idx.msk [tilespmem:v1+s13+$0x0], $0xffff;
	_ =	sdelay $0x1  }
0x40: {  	s0 =	sand.u32 $0x70, s25  }
0x41: {  	s0 =	sor.u32 s0, s23;
	v3 =	vshll.u32 v2, $0x10  }
0x42: {  	v2 =	vand.u32 $0xFFFF0000, v2;
	[tilespmem:s0+$0x4400] =	vst v3  }
0x43: {  	[tilespmem:s0+$0x4500] =	vst v2;
	v3 =	vshll.u32 v1, $0x10  }
0x44: {  	v1 =	vand.u32 $0xFFFF0000, v1;
	[tilespmem:s0+$0x4480] =	vst v3  }
0x45: {  	[tilespmem:s0+$0x4580] =	vst v1  }
0x46: {  	_ =	swait.ge [sflag:s19], $0x2000  }
0x47: {  	[sflag:s19] =	ssyncset.done $0x0  }
0x48: {  	s31 =	simm.s32 $0x200;
	[sflag:s19] =	ssyncadd.s32 $0xFFFFE000  }
0x49: {  	v3 =	vld [tilespmem:s31+$0x0];
	_ =	sdelay $0x1  }
0x4a: {  	s23 =	simm.s32 $0x200  }
0x4b: {  	v2 =	vor.u32 s23, v0;
	v1 =	vmov s23  }
0x4c: {  	v4 =	vshll.u32 v1, $0x3;
	v1 =	vand.u32 $0x7F, v2  }
0x4d: {  	v2 =	vand.u32 $0x1C00, v4;
	v4 =	vshll.u32 v3, $0xA;
	v5 =	vshll.u32 v3, $0x7  }
0x4e: {  	v3 =	vadd.s32 $0x6, v3;
	v4 =	vand.u32 $0xFFFFE000, v4;
	v5 =	vand.u32 $0x380, v5  }
0x4f: {  	s25 =	simm.s32 $0x800;
	v6 =	vshll.u32 v3, $0xA;
	v4 =	vor.u32 v4, v5;
	v5 =	vshll.u32 v3, $0x7  }
0x50: {  	s26 =	simm.s32 $0x210;
	s24 =	sand.u32 $0xE00, s25;
	v3 =	vor.u32 v2, v4;
	v4 =	vand.u32 $0xFFFFE000, v6;
	v5 =	vand.u32 $0x380, v5  }
.LBB2_4:
0x51: {  	p0 =	sne.s32 s26, $0x3F0  }
0x52: {  	v3 =	vor.u32 v1, v3;
	v4 =	vor.u32 v4, v5;
	s25 =	sadd.s32 $0x40, s25;
	s0 =	smov.u32 s26;
	s26 =	sadd.s32 $0x10, s26  }
0x53: {  	s28 =	sand.u32 $0xE00, s25;
	v2 =	vor.u32 v2, v4  }
0x54: {  	s30 =	sshra.s32 s25, $0x2;
	v1 =	vor.u32 v1, v2;
	_ =	sdelay $0x2  }
0x55: {  	v2 =	vld.idx.msk [tilespmem:v3+s13+$0x0], $0xffff;
	_ =	sdelay $0x1  }
0x56: {  	v1 =	vld.idx.msk [tilespmem:v1+s13+$0x0], $0xffff;
	_ =	sdelay $0x2  }
0x57: {  	s31 =	sand.u32 $0x70, s23;
	s23 =	smov.u32 s0  }
0x58: {  	s0 =	sor.u32 s31, s24;
	s24 =	smov.u32 s28;
	v3 =	vshll.u32 v2, $0x10;
	v2 =	vand.u32 $0xFFFF0000, v2  }
0x59: {  	v4 =	vmov s23;
	[tilespmem:s0+$0x4400] =	vst v3  }
0x5a: {  	v3 =	vshll.u32 v1, $0x10;
	v5 =	vand.u32 $0xFFFF0000, v1;
	[tilespmem:s0+$0x4500] =	vst v2  }
0x5b: {  	v1 =	vor.u32 s23, v0;
	v2 =	vshll.u32 v4, $0x3;
	[tilespmem:s0+$0x4480] =	vst v3  }
0x5c: {  	v1 =	vand.u32 $0x7F, v1;
	v2 =	vand.u32 $0x1C00, v2;
	[tilespmem:s0+$0x4580] =	vst v5  }
0x5d: {  	v3 =	vld [tilespmem:s30+$0x0];
	_ =	sdelay $0x3  }
.Ltmp1:
0x5e: {  	(pc) =	sbr.rel @p0 .LBB2_4-.Ltmp1, $4  }
0x5f: {  	v4 =	vshll.u32 v3, $0xA;
	v5 =	vshll.u32 v3, $0x7;
	v3 =	vadd.s32 $0x6, v3  }
0x60: {  	v4 =	vand.u32 $0xFFFFE000, v4;
	v5 =	vand.u32 $0x380, v5;
	v6 =	vshll.u32 v3, $0xA  }
0x61: {  	v4 =	vor.u32 v4, v5;
	v5 =	vshll.u32 v3, $0x7  }
0x62: {  	v3 =	vor.u32 v2, v4;
	v4 =	vand.u32 $0xFFFFE000, v6;
	v5 =	vand.u32 $0x380, v5  }
0x63: {  	v3 =	vor.u32 v1, v3;
	v4 =	vor.u32 v4, v5  }
0x64: {  	v2 =	vor.u32 v2, v4  }
0x65: {  	v1 =	vor.u32 v1, v2;
	_ =	sdelay $0x2  }
0x66: {  	v2 =	vld.idx.msk [tilespmem:v3+s13+$0x0], $0xffff;
	_ =	sdelay $0x1  }
0x67: {  	v1 =	vld.idx.msk [tilespmem:v1+s13+$0x0], $0xffff;
	_ =	sdelay $0x1  }
0x68: {  	s0 =	sand.u32 $0x70, s23  }
0x69: {  	s0 =	sor.u32 s0, s24;
	v3 =	vshll.u32 v2, $0x10  }
0x6a: {  	v2 =	vand.u32 $0xFFFF0000, v2;
	[tilespmem:s0+$0x4400] =	vst v3  }
0x6b: {  	[tilespmem:s0+$0x4500] =	vst v2;
	v3 =	vshll.u32 v1, $0x10  }
0x6c: {  	v1 =	vand.u32 $0xFFFF0000, v1;
	[tilespmem:s0+$0x4480] =	vst v3  }
0x6d: {  	s28 =	simm.s32 $0x4400;
	[tilespmem:s0+$0x4580] =	vst v1  }
0x6e: {  	[hbm4b:s6+s2] =	stream.linear.scatter [tilespmem:s28], [sflag:$0x4], $0x80, $0x38;
	[tilespmem:$0x5400] =	vst v63  }
0x6f: {  	s30 =	sadd.s32 $0x10, s6;
	s31 =	simm.s32 $0x4600  }
0x70: {  	[hbm4b:s30+s2] =	stream.linear.scatter [tilespmem:s31], [sflag:$0x4], $0x80, $0x38;
	[tilespmem:$0x5400] =	vst v63  }
0x71: {  	s25 =	simm.s32 $0x4800;
	s24 =	sadd.s32 $0x20, s6  }
0x72: {  	[hbm4b:s24+s2] =	stream.linear.scatter [tilespmem:s25], [sflag:$0x4], $0x80, $0x38;
	[tilespmem:$0x5400] =	vst v63  }
0x73: {  	s26 =	sadd.s32 $0x30, s6;
	s28 =	simm.s32 $0x4A00  }
0x74: {  	[hbm4b:s26+s2] =	stream.linear.scatter [tilespmem:s28], [sflag:$0x4], $0x80, $0x38;
	[tilespmem:$0x5400] =	vst v63  }
0x75: {  	s30 =	sadd.s32 $0x40, s6;
	s31 =	simm.s32 $0x4C00  }
0x76: {  	[hbm4b:s30+s2] =	stream.linear.scatter [tilespmem:s31], [sflag:$0x4], $0x80, $0x38;
	[tilespmem:$0x5400] =	vst v63  }
0x77: {  	s24 =	sadd.s32 $0x50, s6;
	s25 =	simm.s32 $0x4E00  }
0x78: {  	[hbm4b:s24+s2] =	stream.linear.scatter [tilespmem:s25], [sflag:$0x4], $0x80, $0x38;
	[tilespmem:$0x5400] =	vst v63  }
0x79: {  	s26 =	sadd.s32 $0x60, s6;
	s28 =	simm.s32 $0x5000  }
0x7a: {  	[hbm4b:s26+s2] =	stream.linear.scatter [tilespmem:s28], [sflag:$0x4], $0x80, $0x38;
	[tilespmem:$0x5400] =	vst v63  }
0x7b: {  	s30 =	sadd.s32 $0x70, s6;
	s31 =	simm.s32 $0x5200  }
0x7c: {  	[hbm4b:s30+s2] =	stream.linear.scatter [tilespmem:s31], [sflag:$0x4], $0x80, $0x38;
	[tilespmem:$0x5400] =	vst v63  }
0x7d: {  	_ =	swait.ge [sflag:s29], $0x400  }
0x7e: {  	[sflag:s29] =	ssyncset.done $0x0  }
0x7f: {  	s23 =	simm.s32 $0x4480;
	[sflag:s29] =	ssyncadd.s32 $0xFFFFFC00  }
0x80: {  	[hbm4b:s7+s2] =	stream.linear.scatter [tilespmem:s23], [sflag:$0x4], $0x80, $0x38;
	[tilespmem:$0x5400] =	vst v63  }
0x81: {  	s24 =	sadd.s32 $0x10, s7;
	s25 =	simm.s32 $0x4680  }
0x82: {  	[hbm4b:s24+s2] =	stream.linear.scatter [tilespmem:s25], [sflag:$0x4], $0x80, $0x38;
	[tilespmem:$0x5400] =	vst v63  }
0x83: {  	s26 =	sadd.s32 $0x20, s7;
	s28 =	simm.s32 $0x4880  }
0x84: {  	[hbm4b:s26+s2] =	stream.linear.scatter [tilespmem:s28], [sflag:$0x4], $0x80, $0x38;
	[tilespmem:$0x5400] =	vst v63  }
0x85: {  	s30 =	sadd.s32 $0x30, s7;
	s31 =	simm.s32 $0x4A80  }
0x86: {  	[hbm4b:s30+s2] =	stream.linear.scatter [tilespmem:s31], [sflag:$0x4], $0x80, $0x38;
	[tilespmem:$0x5400] =	vst v63  }
0x87: {  	s24 =	sadd.s32 $0x40, s7;
	s25 =	simm.s32 $0x4C80  }
0x88: {  	[hbm4b:s24+s2] =	stream.linear.scatter [tilespmem:s25], [sflag:$0x4], $0x80, $0x38;
	[tilespmem:$0x5400] =	vst v63  }
0x89: {  	s26 =	sadd.s32 $0x50, s7;
	s28 =	simm.s32 $0x4E80  }
0x8a: {  	[hbm4b:s26+s2] =	stream.linear.scatter [tilespmem:s28], [sflag:$0x4], $0x80, $0x38;
	[tilespmem:$0x5400] =	vst v63  }
0x8b: {  	s30 =	sadd.s32 $0x60, s7;
	s31 =	simm.s32 $0x5080  }
0x8c: {  	[hbm4b:s30+s2] =	stream.linear.scatter [tilespmem:s31], [sflag:$0x4], $0x80, $0x38;
	[tilespmem:$0x5400] =	vst v63  }
0x8d: {  	s23 =	sadd.s32 $0x70, s7;
	s24 =	simm.s32 $0x5280  }
0x8e: {  	[hbm4b:s23+s2] =	stream.linear.scatter [tilespmem:s24], [sflag:$0x4], $0x80, $0x38;
	[tilespmem:$0x5400] =	vst v63  }
0x8f: {  	_ =	swait.ge [sflag:s29], $0x400  }
0x90: {  	[sflag:s29] =	ssyncset.done $0x0  }
0x91: {  	s25 =	simm.s32 $0x4500;
	[sflag:s29] =	ssyncadd.s32 $0xFFFFFC00  }
0x92: {  	[hbm4b:s8+s2] =	stream.linear.scatter [tilespmem:s25], [sflag:$0x4], $0x80, $0x38;
	[tilespmem:$0x5400] =	vst v63  }
0x93: {  	s26 =	sadd.s32 $0x10, s8;
	s28 =	simm.s32 $0x4700  }
0x94: {  	[hbm4b:s26+s2] =	stream.linear.scatter [tilespmem:s28], [sflag:$0x4], $0x80, $0x38;
	[tilespmem:$0x5400] =	vst v63  }
0x95: {  	s30 =	sadd.s32 $0x20, s8;
	s31 =	simm.s32 $0x4900  }
0x96: {  	[hbm4b:s30+s2] =	stream.linear.scatter [tilespmem:s31], [sflag:$0x4], $0x80, $0x38;
	[tilespmem:$0x5400] =	vst v63  }
0x97: {  	s24 =	sadd.s32 $0x30, s8;
	s25 =	simm.s32 $0x4B00  }
0x98: {  	[hbm4b:s24+s2] =	stream.linear.scatter [tilespmem:s25], [sflag:$0x4], $0x80, $0x38;
	[tilespmem:$0x5400] =	vst v63  }
0x99: {  	s26 =	sadd.s32 $0x40, s8;
	s28 =	simm.s32 $0x4D00  }
0x9a: {  	[hbm4b:s26+s2] =	stream.linear.scatter [tilespmem:s28], [sflag:$0x4], $0x80, $0x38;
	[tilespmem:$0x5400] =	vst v63  }
0x9b: {  	s30 =	sadd.s32 $0x50, s8;
	s31 =	simm.s32 $0x4F00  }
0x9c: {  	[hbm4b:s30+s2] =	stream.linear.scatter [tilespmem:s31], [sflag:$0x4], $0x80, $0x38;
	[tilespmem:$0x5400] =	vst v63  }
0x9d: {  	s23 =	sadd.s32 $0x60, s8;
	s24 =	simm.s32 $0x5100  }
0x9e: {  	[hbm4b:s23+s2] =	stream.linear.scatter [tilespmem:s24], [sflag:$0x4], $0x80, $0x38;
	[tilespmem:$0x5400] =	vst v63  }
0x9f: {  	s25 =	sadd.s32 $0x70, s8;
	s26 =	simm.s32 $0x5300  }
0xa0: {  	[hbm4b:s25+s2] =	stream.linear.scatter [tilespmem:s26], [sflag:$0x4], $0x80, $0x38;
	[tilespmem:$0x5400] =	vst v63  }
0xa1: {  	_ =	swait.ge [sflag:s29], $0x400  }
0xa2: {  	[sflag:s29] =	ssyncset.done $0x0  }
0xa3: {  	s28 =	simm.s32 $0x4580;
	[sflag:s29] =	ssyncadd.s32 $0xFFFFFC00  }
0xa4: {  	[hbm4b:s9+s2] =	stream.linear.scatter [tilespmem:s28], [sflag:$0x4], $0x80, $0x38;
	[tilespmem:$0x5400] =	vst v63  }
0xa5: {  	s30 =	sadd.s32 $0x10, s9;
	s31 =	simm.s32 $0x4780  }
0xa6: {  	[hbm4b:s30+s2] =	stream.linear.scatter [tilespmem:s31], [sflag:$0x4], $0x80, $0x38;
	[tilespmem:$0x5400] =	vst v63  }
0xa7: {  	s24 =	sadd.s32 $0x20, s9  }
0xa8: {  	[hbm4b:s24+s2] =	stream.linear.scatter [tilespmem:s1], [sflag:$0x4], $0x80, $0x38;
	[tilespmem:$0x5400] =	vst v63  }
0xa9: {  	s25 =	sadd.s32 $0x30, s9  }
0xaa: {  	[hbm4b:s25+s2] =	stream.linear.scatter [tilespmem:s14], [sflag:$0x4], $0x80, $0x38;
	[tilespmem:$0x5400] =	vst v63  }
0xab: {  	s26 =	sadd.s32 $0x40, s9  }
0xac: {  	[hbm4b:s26+s2] =	stream.linear.scatter [tilespmem:s15], [sflag:$0x4], $0x80, $0x38;
	[tilespmem:$0x5400] =	vst v63  }
0xad: {  	s22 =	sadd.s32 $0x1, s22;
	s28 =	sadd.s32 $0x50, s9  }
0xae: {  	[hbm4b:s28+s2] =	stream.linear.scatter [tilespmem:s16], [sflag:$0x4], $0x80, $0x38;
	[tilespmem:$0x5400] =	vst v63  }
0xaf: {  	p0 =	sne.s32 s22, s10;
	s30 =	sadd.s32 $0x60, s9  }
0xb0: {  	[hbm4b:s30+s2] =	stream.linear.scatter [tilespmem:s20], [sflag:$0x4], $0x80, $0x38;
	[tilespmem:$0x5400] =	vst v63  }
.Ltmp2:
0xb1: {  	s31 =	sadd.s32 $0x70, s9;
	(pc) =	sbr.rel @p0 .LBB2_1-.Ltmp2, $4  }
0xb2: {  	[hbm4b:s31+s2] =	stream.linear.scatter [tilespmem:s21], [sflag:$0x4], $0x80, $0x38;
	[tilespmem:$0x5400] =	vst v63  }
0xb3: {  	_ =	swait.ge [sflag:s29], $0x400  }
0xb4: {  	[sflag:s29] =	ssyncset.done $0x0  }
0xb5: {  	[sflag:s29] =	ssyncadd.s32 $0xFFFFFC00  }
0xb6: {  	_ =	sfence.sel $0x180000  }
0xb7: {  	[bflag:$0x0] =	sbarrier.arrive $0xFFFF  }
0xb8: {  	_ =	strace $0x90000047  }
0xb9: {  	s0 =	stileid.u32;
	[bflag:$0x2] =	sbarrier.arrive $0xFFFF  }
0xba: {  	p0 =	sne.s32 s0, $0x0;
	s0 =	rddreg [dreg:$0x6]  }
0xbb: {  	s0 =	sadd.s32 @!p0 $0x100000, s0  }
0xbc: {  	[sflag:s0] =	ssyncadd.tile.s32 @!p0 $0x1;
	_ =	shalt  }
.Lfunc_end2:
_tile_overlayer_lowered:
.L_overlay_start_2:
0xbd: {  	(tag) =	ssettag $0x2  }
0xbe: {  	s0 =	rddreg [dreg:$0x0];
	s2 =	stileid.u32  }
0xbf: {  	s1 =	rddreg [dreg:$0x1];
	p0 =	sne.s32 s2, $0x0  }
0xc0: {  	s3 =	rddreg [dreg:$0x2];
	[bflag:$0x3] =	sbarrier.arrive $0xFFFF;
	s2 =	simm.s32 @!p0 $0x1C04  }
0xc1: {  	[timem:s3], [sflag:s2] =	dma.local @!p0 [hbm:s0], s1  }
0xc2: {  	s0 =	simm.s32 @!p0 $0x4  }
0xc3: {  	_ =	swait.ge @!p0 [sflag:s0], s1  }
0xc4: {  	s1 =	ssub.s32 @!p0 $0x0, s1;
	[sflag:s0] =	ssyncset.done @!p0 $0x0  }
0xc5: {  	[sflag:s0] =	ssyncadd.s32 @!p0 s1  }
0xc6: {  	[bflag:$0x3] =	sbarrier.arrive $0xFFFF  }
0xc7: {  	_ =	shalt  }

</sc_bundles>
